<compile_context>
chip_gen: v7x
topology: tpu7x:2x2x1
jax: 0.10.2.dev20260603
libtpu: 0.0.44.dev20260713+nightly
codegen_flags: <defaults>
</compile_context>

<pallas_src>
import functools

import jax
import jax.numpy as jnp
from jax import lax
from jax.experimental import pallas as pl
from jax.experimental.pallas import tpu as pltpu
from jax.experimental.pallas import tpu_sc as plsc

_D_MODEL = 128
_EPS = 1e-5


_NC, _NS = 2, 16
_NW = _NC * _NS
_CHUNK = 1280


def _sc_gather_body(n_per_w, table_hbm, idx_hbm, out_hbm, idx_v, rows_v, sem):
    wid = lax.axis_index("s") * _NC + lax.axis_index("c")
    base = wid * n_per_w
    for j in range(n_per_w // _CHUNK):
        off = base + j * _CHUNK
        pltpu.sync_copy(idx_hbm.at[pl.ds(off, _CHUNK)], idx_v)
        pltpu.async_copy(table_hbm.at[idx_v], rows_v, sem).wait()
        pltpu.sync_copy(rows_v, out_hbm.at[pl.ds(off, _CHUNK)])


def _sc_gather(table, idx):
    n = idx.shape[0]
    d = table.shape[1]
    n_per_w = n // _NW
    kern = pl.kernel(
        functools.partial(_sc_gather_body, n_per_w),
        out_type=jax.ShapeDtypeStruct((n, d), jnp.float32),
        mesh=plsc.VectorSubcoreMesh(core_axis_name="c", subcore_axis_name="s"),
        scratch_types=[
            pltpu.VMEM((_CHUNK,), jnp.int32),
            pltpu.VMEM((_CHUNK, d), jnp.float32),
            pltpu.SemaphoreType.DMA,
        ],
        compiler_params=pltpu.CompilerParams(use_tc_tiling_on_sc=False),
    )
    return kern(table, idx)



_TBK = 32768
_TB4 = _TBK // 4


def _tt_body(in_ref, out_ref):
    tin = in_ref[...]
    t = lax.dot_general(
        tin, jnp.eye(32, dtype=jnp.float32), (((0,), (0,)), ((), ())),
        preferred_element_type=jnp.float32)
    out_ref[...] = jnp.concatenate(
        [t[0:_TB4], t[_TB4:2 * _TB4], t[2 * _TB4:3 * _TB4], t[3 * _TB4:]],
        axis=1)


def _tc_table_relayout(table_t):
    d, v = table_t.shape
    nstep = (v + _TBK - 1) // _TBK
    return pl.pallas_call(
        _tt_body,
        grid=(nstep,),
        in_specs=[pl.BlockSpec((d, _TBK), lambda i: (0, i))],
        out_specs=pl.BlockSpec((_TB4, 4 * d), lambda i: (i, 0)),
        out_shape=jax.ShapeDtypeStruct((nstep * _TB4, 4 * d), jnp.float32),
    )(table_t)


def _row_ids(i):
    l = i & (_TBK - 1)
    return (i & ~(_TBK - 1)) + ((l & (_TB4 - 1)) << 2) + (l >> 13)




def _tc_body(scal_ref, tx_ref, coll_ref, m_ref,
             gamma_ref, beta_ref, out_ref):
    rb = tx_ref.shape[2]
    s3 = scal_ref[0]
    tx = tx_ref[0]
    iot = lax.broadcasted_iota(jnp.int32, (16, rb), 0)
    onehot_t = (tx == iot).astype(jnp.float32)
    f_t = jnp.concatenate(
        [s3, jnp.ones((1, rb), jnp.float32), onehot_t], axis=0)
    pre = lax.dot_general(
        f_t, m_ref[...], (((0,), (0,)), ((), ())),
        preferred_element_type=jnp.float32)
    c = coll_ref[...]
    coll = jnp.concatenate(
        [c[:, 0:32], c[:, 32:64], c[:, 64:96], c[:, 96:128]], axis=0)
    comb = jnp.concatenate(
        [pre[:, : _D_MODEL - 32], pre[:, _D_MODEL - 32:] + coll],
        axis=1)
    mu = jnp.mean(comb, axis=1, keepdims=True)
    dev = comb - mu
    var = jnp.mean(dev * dev, axis=1, keepdims=True)
    out_ref[0] = (dev * lax.rsqrt(var + _EPS) * gamma_ref[...]
                  + beta_ref[...])


def _tc_fused(scal, tx_t, coll_rows, m, gamma, beta, *,
              interpret=False):
    s, _, b = scal.shape
    full = lambda j: (0, 0)
    coll128 = coll_rows.reshape(s * b // 4, _D_MODEL)
    return pl.pallas_call(
        _tc_body,
        grid=(s,),
        in_specs=[
            pl.BlockSpec((1, 3, b), lambda j: (j, 0, 0)),
            pl.BlockSpec((1, 1, b), lambda j: (j, 0, 0)),
            pl.BlockSpec((b // 4, _D_MODEL), lambda j: (j, 0)),
            pl.BlockSpec(m.shape, full),
            pl.BlockSpec((1, _D_MODEL), full),
            pl.BlockSpec((1, _D_MODEL), full),
        ],
        out_specs=pl.BlockSpec((1, b, _D_MODEL), lambda j: (j, 0, 0)),
        out_shape=jax.ShapeDtypeStruct((s, b, _D_MODEL), jnp.float32),
        interpret=interpret,
    )(scal, tx_t.reshape(s, 1, b), coll128,
      m, gamma.reshape(1, -1), beta.reshape(1, -1))


def _assemble_m(W_value, b_value, W_gas, b_gas, W_vol, b_vol, tx_table):
    d4 = W_value.shape[1]
    d8 = W_gas.shape[1]
    m = jnp.zeros((20, _D_MODEL), jnp.float32)
    m = m.at[0, :d4].set(W_value[0])
    m = m.at[1, d4:d4 + d8].set(W_gas[0])
    m = m.at[2, d4 + d8:d4 + 2 * d8].set(W_vol[0])
    m = m.at[3, :d4].set(b_value)
    m = m.at[3, d4:d4 + d8].set(b_gas)
    m = m.at[3, d4 + d8:d4 + 2 * d8].set(b_vol)
    m = m.at[4:4 + tx_table.shape[0], d4 + 2 * d8:d4 + 2 * d8 + d4].set(tx_table)
    return m


def kernel(value, gas_fee, volume, tx_type, nft_collection,
           W_value, b_value, W_gas, b_gas, W_vol, b_vol,
           tx_table, coll_table, gamma, beta):
    b, s = value.shape
    n = b * s
    sc_idx = (_row_ids(nft_collection.T).reshape(s, 4, b // 4)
              .transpose(0, 2, 1).reshape(n))
    table_lin = _tc_table_relayout(coll_table.T)
    table32 = table_lin.reshape(table_lin.size // 32, 32)
    coll_rows = _sc_gather(table32, sc_idx)
    m = _assemble_m(W_value, b_value, W_gas, b_gas, W_vol, b_vol, tx_table)
    scal = jnp.stack([value.T, gas_fee.T, volume.T], axis=1)
    out_t = _tc_fused(scal, tx_type.T, coll_rows, m, gamma, beta)
    return out_t.transpose(1, 0, 2)

# --- scband reference (transcript-rebuilt; emitter-appended) ---
"""Pipeline reference for scband-transaction-feature-embedding-76046690943373 (READ-ONLY COPY).

The authoritative reference and input builder live on the scoring server;
editing this copy changes nothing except your own understanding.
"""

import jax, jax.numpy as jnp
import numpy as np

D_MODEL = 128
NUM_TX_TYPES = 10
NUM_COLLECTIONS = 1000000
B, S = 4096, 50
EPS = 1e-5


def layer_norm(x, gamma, beta):
    mu = jnp.mean(x, axis=-1, keepdims=True)
    var = jnp.mean((x - mu) ** 2, axis=-1, keepdims=True)
    return (x - mu) * jax.lax.rsqrt(var + EPS) * gamma + beta


def setup_inputs(seed: int = 0) -> dict:
    key = jax.random.key(seed)
    ks = jax.random.split(key, 16)
    d4, d8 = D_MODEL // 4, D_MODEL // 8
    return {
        "value": jax.random.normal(ks[0], (B, S), dtype=jnp.float32),
        "gas_fee": jax.random.uniform(ks[1], (B, S), dtype=jnp.float32),
        "volume": jax.random.uniform(ks[2], (B, S), dtype=jnp.float32),
        "tx_type": jax.random.randint(ks[3], (B, S), 0, NUM_TX_TYPES, dtype=jnp.int32),
        "nft_collection": jax.random.randint(ks[4], (B, S), 0, NUM_COLLECTIONS, dtype=jnp.int32),
        "W_value": jax.random.normal(ks[5], (1, d4), dtype=jnp.float32),
        "b_value": jnp.zeros((d4,), dtype=jnp.float32),
        "W_gas": jax.random.normal(ks[6], (1, d8), dtype=jnp.float32),
        "b_gas": jnp.zeros((d8,), dtype=jnp.float32),
        "W_vol": jax.random.normal(ks[7], (1, d8), dtype=jnp.float32),
        "b_vol": jnp.zeros((d8,), dtype=jnp.float32),
        "tx_table": jax.random.normal(ks[8], (NUM_TX_TYPES, d4), dtype=jnp.float32) * 0.02,
        "coll_table": jax.random.normal(ks[9], (NUM_COLLECTIONS, d4), dtype=jnp.float32) * 0.02,
        "gamma": jnp.ones((D_MODEL,), dtype=jnp.float32),
        "beta": jnp.zeros((D_MODEL,), dtype=jnp.float32),
    }


def reference(value, gas_fee, volume, tx_type, nft_collection,
              W_value, b_value, W_gas, b_gas, W_vol, b_vol,
              tx_table, coll_table, gamma, beta):
    # Linear projections of scalar features (unsqueeze(-1) then Linear(1, d))
    value_emb = value[..., None] @ W_value + b_value            # (B, S, d/4)
    gas_emb = gas_fee[..., None] @ W_gas + b_gas                # (B, S, d/8)
    vol_emb = volume[..., None] @ W_vol + b_vol                 # (B, S, d/8)
    # Embedding lookups (SparseCore gathers)
    type_emb = jnp.take(tx_table, tx_type, axis=0)              # (B, S, d/4)
    coll_emb = jnp.take(coll_table, nft_collection, axis=0)     # (B, S, d/4)
    combined = jnp.concatenate(
        [value_emb, gas_emb, vol_emb, type_emb, coll_emb], axis=-1)  # (B, S, d_model)
    return layer_norm(combined, gamma, beta)

if __name__ == "__main__":
    import jax
    _d = setup_inputs()
    print(jax.jit(kernel)(*tuple(_d.values())))

</pallas_src>

<mosaic_0001>
#map = affine_map<(d0, d1) -> (0, 0)>
#map1 = affine_map<(d0, d1) -> (0)>
module attributes {stable_mosaic.version = 14 : i64} {
  func.func @_sc_gather_body(%arg0: i32, %arg1: i32, %arg2: memref<1015808x32xf32, #tpu.memory_space<hbm>>, %arg3: memref<204800xi32, #tpu.memory_space<hbm>>, %arg4: memref<204800x32xf32, #tpu.memory_space<hbm>>, %arg5: memref<1280xi32, #tpu.memory_space<vmem>>, %arg6: memref<1280x32xf32, #tpu.memory_space<vmem>>, %arg7: memref<!tpu.dma_semaphore, #tpu.memory_space<semaphore_mem>>) attributes {dimension_semantics = [#tpu.dimension_semantics<core_parallel>, #tpu.dimension_semantics<subcore_parallel>], iteration_bounds = array<i64: 2, 16>, scalar_prefetch = 0 : i64, scratch_operands = 3 : i64, tpu.core_type = #tpu.core_type<sc_vector_subcore>, window_params = [{transform_indices = #map}, {transform_indices = #map1}, {transform_indices = #map}]} {
    %mul3A = arith.constant 2 : i32
    %mul3A_0 = arith.muli %arg1, %mul3A : i32
    %add3A = arith.addi %mul3A_0, %arg0 : i32
    %mul3A_1 = arith.constant 6400 : i32
    %mul3A_2 = arith.muli %add3A, %mul3A_1 : i32
    %add3A_3 = arith.constant 0 : i32
    %add3A_4 = arith.addi %mul3A_2, %add3A_3 : i32
    "tpu.region"() ({
      %run_scoped3A = tpu.sem_alloc : memref<!tpu.dma_semaphore, #tpu.memory_space<semaphore_mem>>
      %dma_start3A_41 = tpu.memref_slice %arg3[%add3A_4] : memref<204800xi32, #tpu.memory_space<hbm>> -> memref<1280xi32, #tpu.memory_space<hbm>>
      %dma_start3A_42 = tpu.memref_slice %arg3[%add3A_4] : memref<204800xi32, #tpu.memory_space<hbm>> -> memref<1280xi32, #tpu.memory_space<hbm>>
      tpu.enqueue_dma source(%dma_start3A_42 : memref<1280xi32, #tpu.memory_space<hbm>>) target(%arg5 : memref<1280xi32, #tpu.memory_space<vmem>>) target_semaphore(%run_scoped3A : memref<!tpu.dma_semaphore, #tpu.memory_space<semaphore_mem>>)
      %dma_wait3A_43 = tpu.memref_slice %arg3[%add3A_4] : memref<204800xi32, #tpu.memory_space<hbm>> -> memref<1280xi32, #tpu.memory_space<hbm>>
      %dma_wait3A_44 = tpu.memref_slice %arg3[%add3A_4] : memref<204800xi32, #tpu.memory_space<hbm>> -> memref<1280xi32, #tpu.memory_space<hbm>>
      tpu.wait_dma2 semaphore(%run_scoped3A : memref<!tpu.dma_semaphore, #tpu.memory_space<semaphore_mem>>) src(%dma_wait3A_44 : memref<1280xi32, #tpu.memory_space<hbm>>) dst(%arg5 : memref<1280xi32, #tpu.memory_space<vmem>>)
      tpu.yield
    }) : () -> ()
    %dma_start3A = arith.constant 0 : i32
    %dma_start3A_5 = arith.constant 0 : i32
    %dma_start3A_6 = tpu.memref_slice %arg2[%dma_start3A, %dma_start3A_5] : memref<1015808x32xf32, #tpu.memory_space<hbm>> -> memref<1015808x32xf32, #tpu.memory_space<hbm>>
    tpu.enqueue_indirect_dma source(%dma_start3A_6 : memref<1015808x32xf32, #tpu.memory_space<hbm>>) target(%arg6 : memref<1280x32xf32, #tpu.memory_space<vmem>>) offsets(%arg5 : memref<1280xi32, #tpu.memory_space<vmem>>) semaphore(%arg7 : memref<!tpu.dma_semaphore, #tpu.memory_space<semaphore_mem>>)
    %dma_wait3A = arith.constant 0 : i32
    %dma_wait3A_7 = arith.constant 0 : i32
    %dma_wait3A_8 = tpu.memref_slice %arg2[%dma_wait3A, %dma_wait3A_7] : memref<1015808x32xf32, #tpu.memory_space<hbm>> -> memref<1015808x32xf32, #tpu.memory_space<hbm>>
    tpu.wait_indirect_dma semaphore(%arg7 : memref<!tpu.dma_semaphore, #tpu.memory_space<semaphore_mem>>) src(%dma_wait3A_8 : memref<1015808x32xf32, #tpu.memory_space<hbm>>) dst(%arg6 : memref<1280x32xf32, #tpu.memory_space<vmem>>)
    "tpu.region"() ({
      %run_scoped3A = tpu.sem_alloc : memref<!tpu.dma_semaphore, #tpu.memory_space<semaphore_mem>>
      %dma_start3A_41 = arith.constant 0 : i32
      %dma_start3A_42 = tpu.memref_slice %arg4[%add3A_4, %dma_start3A_41] : memref<204800x32xf32, #tpu.memory_space<hbm>> -> memref<1280x32xf32, #tpu.memory_space<hbm>>
      %dma_start3A_43 = arith.constant 0 : i32
      %dma_start3A_44 = tpu.memref_slice %arg4[%add3A_4, %dma_start3A_43] : memref<204800x32xf32, #tpu.memory_space<hbm>> -> memref<1280x32xf32, #tpu.memory_space<hbm>>
      tpu.enqueue_dma source(%arg6 : memref<1280x32xf32, #tpu.memory_space<vmem>>) target(%dma_start3A_44 : memref<1280x32xf32, #tpu.memory_space<hbm>>) target_semaphore(%run_scoped3A : memref<!tpu.dma_semaphore, #tpu.memory_space<semaphore_mem>>)
      %dma_wait3A_45 = arith.constant 0 : i32
      %dma_wait3A_46 = tpu.memref_slice %arg4[%add3A_4, %dma_wait3A_45] : memref<204800x32xf32, #tpu.memory_space<hbm>> -> memref<1280x32xf32, #tpu.memory_space<hbm>>
      %dma_wait3A_47 = arith.constant 0 : i32
      %dma_wait3A_48 = tpu.memref_slice %arg4[%add3A_4, %dma_wait3A_47] : memref<204800x32xf32, #tpu.memory_space<hbm>> -> memref<1280x32xf32, #tpu.memory_space<hbm>>
      tpu.wait_dma2 semaphore(%run_scoped3A : memref<!tpu.dma_semaphore, #tpu.memory_space<semaphore_mem>>) src(%arg6 : memref<1280x32xf32, #tpu.memory_space<vmem>>) dst(%dma_wait3A_48 : memref<1280x32xf32, #tpu.memory_space<hbm>>)
      tpu.yield
    }) : () -> ()
    %add3A_9 = arith.constant 1280 : i32
    %add3A_10 = arith.addi %mul3A_2, %add3A_9 : i32
    "tpu.region"() ({
      %run_scoped3A = tpu.sem_alloc : memref<!tpu.dma_semaphore, #tpu.memory_space<semaphore_mem>>
      %dma_start3A_41 = tpu.memref_slice %arg3[%add3A_10] : memref<204800xi32, #tpu.memory_space<hbm>> -> memref<1280xi32, #tpu.memory_space<hbm>>
      %dma_start3A_42 = tpu.memref_slice %arg3[%add3A_10] : memref<204800xi32, #tpu.memory_space<hbm>> -> memref<1280xi32, #tpu.memory_space<hbm>>
      tpu.enqueue_dma source(%dma_start3A_42 : memref<1280xi32, #tpu.memory_space<hbm>>) target(%arg5 : memref<1280xi32, #tpu.memory_space<vmem>>) target_semaphore(%run_scoped3A : memref<!tpu.dma_semaphore, #tpu.memory_space<semaphore_mem>>)
      %dma_wait3A_43 = tpu.memref_slice %arg3[%add3A_10] : memref<204800xi32, #tpu.memory_space<hbm>> -> memref<1280xi32, #tpu.memory_space<hbm>>
      %dma_wait3A_44 = tpu.memref_slice %arg3[%add3A_10] : memref<204800xi32, #tpu.memory_space<hbm>> -> memref<1280xi32, #tpu.memory_space<hbm>>
      tpu.wait_dma2 semaphore(%run_scoped3A : memref<!tpu.dma_semaphore, #tpu.memory_space<semaphore_mem>>) src(%dma_wait3A_44 : memref<1280xi32, #tpu.memory_space<hbm>>) dst(%arg5 : memref<1280xi32, #tpu.memory_space<vmem>>)
      tpu.yield
    }) : () -> ()
    %dma_start3A_11 = arith.constant 0 : i32
    %dma_start3A_12 = arith.constant 0 : i32
    %dma_start3A_13 = tpu.memref_slice %arg2[%dma_start3A_11, %dma_start3A_12] : memref<1015808x32xf32, #tpu.memory_space<hbm>> -> memref<1015808x32xf32, #tpu.memory_space<hbm>>
    tpu.enqueue_indirect_dma source(%dma_start3A_13 : memref<1015808x32xf32, #tpu.memory_space<hbm>>) target(%arg6 : memref<1280x32xf32, #tpu.memory_space<vmem>>) offsets(%arg5 : memref<1280xi32, #tpu.memory_space<vmem>>) semaphore(%arg7 : memref<!tpu.dma_semaphore, #tpu.memory_space<semaphore_mem>>)
    %dma_wait3A_14 = arith.constant 0 : i32
    %dma_wait3A_15 = arith.constant 0 : i32
    %dma_wait3A_16 = tpu.memref_slice %arg2[%dma_wait3A_14, %dma_wait3A_15] : memref<1015808x32xf32, #tpu.memory_space<hbm>> -> memref<1015808x32xf32, #tpu.memory_space<hbm>>
    tpu.wait_indirect_dma semaphore(%arg7 : memref<!tpu.dma_semaphore, #tpu.memory_space<semaphore_mem>>) src(%dma_wait3A_16 : memref<1015808x32xf32, #tpu.memory_space<hbm>>) dst(%arg6 : memref<1280x32xf32, #tpu.memory_space<vmem>>)
    "tpu.region"() ({
      %run_scoped3A = tpu.sem_alloc : memref<!tpu.dma_semaphore, #tpu.memory_space<semaphore_mem>>
      %dma_start3A_41 = arith.constant 0 : i32
      %dma_start3A_42 = tpu.memref_slice %arg4[%add3A_10, %dma_start3A_41] : memref<204800x32xf32, #tpu.memory_space<hbm>> -> memref<1280x32xf32, #tpu.memory_space<hbm>>
      %dma_start3A_43 = arith.constant 0 : i32
      %dma_start3A_44 = tpu.memref_slice %arg4[%add3A_10, %dma_start3A_43] : memref<204800x32xf32, #tpu.memory_space<hbm>> -> memref<1280x32xf32, #tpu.memory_space<hbm>>
      tpu.enqueue_dma source(%arg6 : memref<1280x32xf32, #tpu.memory_space<vmem>>) target(%dma_start3A_44 : memref<1280x32xf32, #tpu.memory_space<hbm>>) target_semaphore(%run_scoped3A : memref<!tpu.dma_semaphore, #tpu.memory_space<semaphore_mem>>)
      %dma_wait3A_45 = arith.constant 0 : i32
      %dma_wait3A_46 = tpu.memref_slice %arg4[%add3A_10, %dma_wait3A_45] : memref<204800x32xf32, #tpu.memory_space<hbm>> -> memref<1280x32xf32, #tpu.memory_space<hbm>>
      %dma_wait3A_47 = arith.constant 0 : i32
      %dma_wait3A_48 = tpu.memref_slice %arg4[%add3A_10, %dma_wait3A_47] : memref<204800x32xf32, #tpu.memory_space<hbm>> -> memref<1280x32xf32, #tpu.memory_space<hbm>>
      tpu.wait_dma2 semaphore(%run_scoped3A : memref<!tpu.dma_semaphore, #tpu.memory_space<semaphore_mem>>) src(%arg6 : memref<1280x32xf32, #tpu.memory_space<vmem>>) dst(%dma_wait3A_48 : memref<1280x32xf32, #tpu.memory_space<hbm>>)
      tpu.yield
    }) : () -> ()
    %add3A_17 = arith.constant 2560 : i32
    %add3A_18 = arith.addi %mul3A_2, %add3A_17 : i32
    "tpu.region"() ({
      %run_scoped3A = tpu.sem_alloc : memref<!tpu.dma_semaphore, #tpu.memory_space<semaphore_mem>>
      %dma_start3A_41 = tpu.memref_slice %arg3[%add3A_18] : memref<204800xi32, #tpu.memory_space<hbm>> -> memref<1280xi32, #tpu.memory_space<hbm>>
      %dma_start3A_42 = tpu.memref_slice %arg3[%add3A_18] : memref<204800xi32, #tpu.memory_space<hbm>> -> memref<1280xi32, #tpu.memory_space<hbm>>
      tpu.enqueue_dma source(%dma_start3A_42 : memref<1280xi32, #tpu.memory_space<hbm>>) target(%arg5 : memref<1280xi32, #tpu.memory_space<vmem>>) target_semaphore(%run_scoped3A : memref<!tpu.dma_semaphore, #tpu.memory_space<semaphore_mem>>)
      %dma_wait3A_43 = tpu.memref_slice %arg3[%add3A_18] : memref<204800xi32, #tpu.memory_space<hbm>> -> memref<1280xi32, #tpu.memory_space<hbm>>
      %dma_wait3A_44 = tpu.memref_slice %arg3[%add3A_18] : memref<204800xi32, #tpu.memory_space<hbm>> -> memref<1280xi32, #tpu.memory_space<hbm>>
      tpu.wait_dma2 semaphore(%run_scoped3A : memref<!tpu.dma_semaphore, #tpu.memory_space<semaphore_mem>>) src(%dma_wait3A_44 : memref<1280xi32, #tpu.memory_space<hbm>>) dst(%arg5 : memref<1280xi32, #tpu.memory_space<vmem>>)
      tpu.yield
    }) : () -> ()
    %dma_start3A_19 = arith.constant 0 : i32
    %dma_start3A_20 = arith.constant 0 : i32
    %dma_start3A_21 = tpu.memref_slice %arg2[%dma_start3A_19, %dma_start3A_20] : memref<1015808x32xf32, #tpu.memory_space<hbm>> -> memref<1015808x32xf32, #tpu.memory_space<hbm>>
    tpu.enqueue_indirect_dma source(%dma_start3A_21 : memref<1015808x32xf32, #tpu.memory_space<hbm>>) target(%arg6 : memref<1280x32xf32, #tpu.memory_space<vmem>>) offsets(%arg5 : memref<1280xi32, #tpu.memory_space<vmem>>) semaphore(%arg7 : memref<!tpu.dma_semaphore, #tpu.memory_space<semaphore_mem>>)
    %dma_wait3A_22 = arith.constant 0 : i32
    %dma_wait3A_23 = arith.constant 0 : i32
    %dma_wait3A_24 = tpu.memref_slice %arg2[%dma_wait3A_22, %dma_wait3A_23] : memref<1015808x32xf32, #tpu.memory_space<hbm>> -> memref<1015808x32xf32, #tpu.memory_space<hbm>>
    tpu.wait_indirect_dma semaphore(%arg7 : memref<!tpu.dma_semaphore, #tpu.memory_space<semaphore_mem>>) src(%dma_wait3A_24 : memref<1015808x32xf32, #tpu.memory_space<hbm>>) dst(%arg6 : memref<1280x32xf32, #tpu.memory_space<vmem>>)
    "tpu.region"() ({
      %run_scoped3A = tpu.sem_alloc : memref<!tpu.dma_semaphore, #tpu.memory_space<semaphore_mem>>
      %dma_start3A_41 = arith.constant 0 : i32
      %dma_start3A_42 = tpu.memref_slice %arg4[%add3A_18, %dma_start3A_41] : memref<204800x32xf32, #tpu.memory_space<hbm>> -> memref<1280x32xf32, #tpu.memory_space<hbm>>
      %dma_start3A_43 = arith.constant 0 : i32
      %dma_start3A_44 = tpu.memref_slice %arg4[%add3A_18, %dma_start3A_43] : memref<204800x32xf32, #tpu.memory_space<hbm>> -> memref<1280x32xf32, #tpu.memory_space<hbm>>
      tpu.enqueue_dma source(%arg6 : memref<1280x32xf32, #tpu.memory_space<vmem>>) target(%dma_start3A_44 : memref<1280x32xf32, #tpu.memory_space<hbm>>) target_semaphore(%run_scoped3A : memref<!tpu.dma_semaphore, #tpu.memory_space<semaphore_mem>>)
      %dma_wait3A_45 = arith.constant 0 : i32
      %dma_wait3A_46 = tpu.memref_slice %arg4[%add3A_18, %dma_wait3A_45] : memref<204800x32xf32, #tpu.memory_space<hbm>> -> memref<1280x32xf32, #tpu.memory_space<hbm>>
      %dma_wait3A_47 = arith.constant 0 : i32
      %dma_wait3A_48 = tpu.memref_slice %arg4[%add3A_18, %dma_wait3A_47] : memref<204800x32xf32, #tpu.memory_space<hbm>> -> memref<1280x32xf32, #tpu.memory_space<hbm>>
      tpu.wait_dma2 semaphore(%run_scoped3A : memref<!tpu.dma_semaphore, #tpu.memory_space<semaphore_mem>>) src(%arg6 : memref<1280x32xf32, #tpu.memory_space<vmem>>) dst(%dma_wait3A_48 : memref<1280x32xf32, #tpu.memory_space<hbm>>)
      tpu.yield
    }) : () -> ()
    %add3A_25 = arith.constant 3840 : i32
    %add3A_26 = arith.addi %mul3A_2, %add3A_25 : i32
    "tpu.region"() ({
      %run_scoped3A = tpu.sem_alloc : memref<!tpu.dma_semaphore, #tpu.memory_space<semaphore_mem>>
      %dma_start3A_41 = tpu.memref_slice %arg3[%add3A_26] : memref<204800xi32, #tpu.memory_space<hbm>> -> memref<1280xi32, #tpu.memory_space<hbm>>
      %dma_start3A_42 = tpu.memref_slice %arg3[%add3A_26] : memref<204800xi32, #tpu.memory_space<hbm>> -> memref<1280xi32, #tpu.memory_space<hbm>>
      tpu.enqueue_dma source(%dma_start3A_42 : memref<1280xi32, #tpu.memory_space<hbm>>) target(%arg5 : memref<1280xi32, #tpu.memory_space<vmem>>) target_semaphore(%run_scoped3A : memref<!tpu.dma_semaphore, #tpu.memory_space<semaphore_mem>>)
      %dma_wait3A_43 = tpu.memref_slice %arg3[%add3A_26] : memref<204800xi32, #tpu.memory_space<hbm>> -> memref<1280xi32, #tpu.memory_space<hbm>>
      %dma_wait3A_44 = tpu.memref_slice %arg3[%add3A_26] : memref<204800xi32, #tpu.memory_space<hbm>> -> memref<1280xi32, #tpu.memory_space<hbm>>
      tpu.wait_dma2 semaphore(%run_scoped3A : memref<!tpu.dma_semaphore, #tpu.memory_space<semaphore_mem>>) src(%dma_wait3A_44 : memref<1280xi32, #tpu.memory_space<hbm>>) dst(%arg5 : memref<1280xi32, #tpu.memory_space<vmem>>)
      tpu.yield
    }) : () -> ()
    %dma_start3A_27 = arith.constant 0 : i32
    %dma_start3A_28 = arith.constant 0 : i32
    %dma_start3A_29 = tpu.memref_slice %arg2[%dma_start3A_27, %dma_start3A_28] : memref<1015808x32xf32, #tpu.memory_space<hbm>> -> memref<1015808x32xf32, #tpu.memory_space<hbm>>
    tpu.enqueue_indirect_dma source(%dma_start3A_29 : memref<1015808x32xf32, #tpu.memory_space<hbm>>) target(%arg6 : memref<1280x32xf32, #tpu.memory_space<vmem>>) offsets(%arg5 : memref<1280xi32, #tpu.memory_space<vmem>>) semaphore(%arg7 : memref<!tpu.dma_semaphore, #tpu.memory_space<semaphore_mem>>)
    %dma_wait3A_30 = arith.constant 0 : i32
    %dma_wait3A_31 = arith.constant 0 : i32
    %dma_wait3A_32 = tpu.memref_slice %arg2[%dma_wait3A_30, %dma_wait3A_31] : memref<1015808x32xf32, #tpu.memory_space<hbm>> -> memref<1015808x32xf32, #tpu.memory_space<hbm>>
    tpu.wait_indirect_dma semaphore(%arg7 : memref<!tpu.dma_semaphore, #tpu.memory_space<semaphore_mem>>) src(%dma_wait3A_32 : memref<1015808x32xf32, #tpu.memory_space<hbm>>) dst(%arg6 : memref<1280x32xf32, #tpu.memory_space<vmem>>)
    "tpu.region"() ({
      %run_scoped3A = tpu.sem_alloc : memref<!tpu.dma_semaphore, #tpu.memory_space<semaphore_mem>>
      %dma_start3A_41 = arith.constant 0 : i32
      %dma_start3A_42 = tpu.memref_slice %arg4[%add3A_26, %dma_start3A_41] : memref<204800x32xf32, #tpu.memory_space<hbm>> -> memref<1280x32xf32, #tpu.memory_space<hbm>>
      %dma_start3A_43 = arith.constant 0 : i32
      %dma_start3A_44 = tpu.memref_slice %arg4[%add3A_26, %dma_start3A_43] : memref<204800x32xf32, #tpu.memory_space<hbm>> -> memref<1280x32xf32, #tpu.memory_space<hbm>>
      tpu.enqueue_dma source(%arg6 : memref<1280x32xf32, #tpu.memory_space<vmem>>) target(%dma_start3A_44 : memref<1280x32xf32, #tpu.memory_space<hbm>>) target_semaphore(%run_scoped3A : memref<!tpu.dma_semaphore, #tpu.memory_space<semaphore_mem>>)
      %dma_wait3A_45 = arith.constant 0 : i32
      %dma_wait3A_46 = tpu.memref_slice %arg4[%add3A_26, %dma_wait3A_45] : memref<204800x32xf32, #tpu.memory_space<hbm>> -> memref<1280x32xf32, #tpu.memory_space<hbm>>
      %dma_wait3A_47 = arith.constant 0 : i32
      %dma_wait3A_48 = tpu.memref_slice %arg4[%add3A_26, %dma_wait3A_47] : memref<204800x32xf32, #tpu.memory_space<hbm>> -> memref<1280x32xf32, #tpu.memory_space<hbm>>
      tpu.wait_dma2 semaphore(%run_scoped3A : memref<!tpu.dma_semaphore, #tpu.memory_space<semaphore_mem>>) src(%arg6 : memref<1280x32xf32, #tpu.memory_space<vmem>>) dst(%dma_wait3A_48 : memref<1280x32xf32, #tpu.memory_space<hbm>>)
      tpu.yield
    }) : () -> ()
    %add3A_33 = arith.constant 5120 : i32
    %add3A_34 = arith.addi %mul3A_2, %add3A_33 : i32
    "tpu.region"() ({
      %run_scoped3A = tpu.sem_alloc : memref<!tpu.dma_semaphore, #tpu.memory_space<semaphore_mem>>
      %dma_start3A_41 = tpu.memref_slice %arg3[%add3A_34] : memref<204800xi32, #tpu.memory_space<hbm>> -> memref<1280xi32, #tpu.memory_space<hbm>>
      %dma_start3A_42 = tpu.memref_slice %arg3[%add3A_34] : memref<204800xi32, #tpu.memory_space<hbm>> -> memref<1280xi32, #tpu.memory_space<hbm>>
      tpu.enqueue_dma source(%dma_start3A_42 : memref<1280xi32, #tpu.memory_space<hbm>>) target(%arg5 : memref<1280xi32, #tpu.memory_space<vmem>>) target_semaphore(%run_scoped3A : memref<!tpu.dma_semaphore, #tpu.memory_space<semaphore_mem>>)
      %dma_wait3A_43 = tpu.memref_slice %arg3[%add3A_34] : memref<204800xi32, #tpu.memory_space<hbm>> -> memref<1280xi32, #tpu.memory_space<hbm>>
      %dma_wait3A_44 = tpu.memref_slice %arg3[%add3A_34] : memref<204800xi32, #tpu.memory_space<hbm>> -> memref<1280xi32, #tpu.memory_space<hbm>>
      tpu.wait_dma2 semaphore(%run_scoped3A : memref<!tpu.dma_semaphore, #tpu.memory_space<semaphore_mem>>) src(%dma_wait3A_44 : memref<1280xi32, #tpu.memory_space<hbm>>) dst(%arg5 : memref<1280xi32, #tpu.memory_space<vmem>>)
      tpu.yield
    }) : () -> ()
    %dma_start3A_35 = arith.constant 0 : i32
    %dma_start3A_36 = arith.constant 0 : i32
    %dma_start3A_37 = tpu.memref_slice %arg2[%dma_start3A_35, %dma_start3A_36] : memref<1015808x32xf32, #tpu.memory_space<hbm>> -> memref<1015808x32xf32, #tpu.memory_space<hbm>>
    tpu.enqueue_indirect_dma source(%dma_start3A_37 : memref<1015808x32xf32, #tpu.memory_space<hbm>>) target(%arg6 : memref<1280x32xf32, #tpu.memory_space<vmem>>) offsets(%arg5 : memref<1280xi32, #tpu.memory_space<vmem>>) semaphore(%arg7 : memref<!tpu.dma_semaphore, #tpu.memory_space<semaphore_mem>>)
    %dma_wait3A_38 = arith.constant 0 : i32
    %dma_wait3A_39 = arith.constant 0 : i32
    %dma_wait3A_40 = tpu.memref_slice %arg2[%dma_wait3A_38, %dma_wait3A_39] : memref<1015808x32xf32, #tpu.memory_space<hbm>> -> memref<1015808x32xf32, #tpu.memory_space<hbm>>
    tpu.wait_indirect_dma semaphore(%arg7 : memref<!tpu.dma_semaphore, #tpu.memory_space<semaphore_mem>>) src(%dma_wait3A_40 : memref<1015808x32xf32, #tpu.memory_space<hbm>>) dst(%arg6 : memref<1280x32xf32, #tpu.memory_space<vmem>>)
    "tpu.region"() ({
      %run_scoped3A = tpu.sem_alloc : memref<!tpu.dma_semaphore, #tpu.memory_space<semaphore_mem>>
      %dma_start3A_41 = arith.constant 0 : i32
      %dma_start3A_42 = tpu.memref_slice %arg4[%add3A_34, %dma_start3A_41] : memref<204800x32xf32, #tpu.memory_space<hbm>> -> memref<1280x32xf32, #tpu.memory_space<hbm>>
      %dma_start3A_43 = arith.constant 0 : i32
      %dma_start3A_44 = tpu.memref_slice %arg4[%add3A_34, %dma_start3A_43] : memref<204800x32xf32, #tpu.memory_space<hbm>> -> memref<1280x32xf32, #tpu.memory_space<hbm>>
      tpu.enqueue_dma source(%arg6 : memref<1280x32xf32, #tpu.memory_space<vmem>>) target(%dma_start3A_44 : memref<1280x32xf32, #tpu.memory_space<hbm>>) target_semaphore(%run_scoped3A : memref<!tpu.dma_semaphore, #tpu.memory_space<semaphore_mem>>)
      %dma_wait3A_45 = arith.constant 0 : i32
      %dma_wait3A_46 = tpu.memref_slice %arg4[%add3A_34, %dma_wait3A_45] : memref<204800x32xf32, #tpu.memory_space<hbm>> -> memref<1280x32xf32, #tpu.memory_space<hbm>>
      %dma_wait3A_47 = arith.constant 0 : i32
      %dma_wait3A_48 = tpu.memref_slice %arg4[%add3A_34, %dma_wait3A_47] : memref<204800x32xf32, #tpu.memory_space<hbm>> -> memref<1280x32xf32, #tpu.memory_space<hbm>>
      tpu.wait_dma2 semaphore(%run_scoped3A : memref<!tpu.dma_semaphore, #tpu.memory_space<semaphore_mem>>) src(%arg6 : memref<1280x32xf32, #tpu.memory_space<vmem>>) dst(%dma_wait3A_48 : memref<1280x32xf32, #tpu.memory_space<hbm>>)
      tpu.yield
    }) : () -> ()
    return
  }
}

module attributes {stable_mosaic.version = 14 : i64} {
  func.func @_tt_body(%arg0: i32, %arg1: memref<32x32768xf32, #tpu.memory_space<vmem>>, %arg2: memref<8192x128xf32, #tpu.memory_space<vmem>>) attributes {dimension_semantics = [#tpu.dimension_semantics<arbitrary>], iteration_bounds = array<i64: 31>, scalar_prefetch = 0 : i64, scratch_operands = 0 : i64, tpu.core_type = #tpu.core_type<tc>, window_params = [{transform_indices = @transform_0, window_bounds = array<i64: 32, 32768>}, {transform_indices = @transform_1, window_bounds = array<i64: 8192, 128>}]} {
    %get3A = arith.constant 0 : index
    %get3A_0 = arith.constant 0 : index
    %get3A_1 = vector.load %arg1[%get3A, %get3A_0] : memref<32x32768xf32, #tpu.memory_space<vmem>>, vector<32x32768xf32>
    %iota3A = tpu.iota {dimensions = array<i32: 0>} : vector<32x32xi32>
    %iota3A_2 = tpu.iota {dimensions = array<i32: 1>} : vector<32x32xi32>
    %add3A = arith.constant 0 : i32
    %add3A_3 = vector.broadcast %add3A : i32 to vector<32x32xi32>
    %add3A_4 = arith.addi %iota3A, %add3A_3 : vector<32x32xi32>
    %eq3A = arith.cmpi eq, %add3A_4, %iota3A_2 : vector<32x32xi32>
    %convert_element_type3A = arith.extui %eq3A : vector<32x32xi1> to vector<32x32xi32>
    %convert_element_type3A_5 = arith.sitofp %convert_element_type3A : vector<32x32xi32> to vector<32x32xf32>
    %dot_general3A = arith.constant dense<0.000000e+00> : vector<32768x32xf32>
    %dot_general3A_6 = tpu.matmul %get3A_1, %convert_element_type3A_5, %dot_general3A {dimension_numbers = #tpu.dot_dimension_numbers<[0], [0], [1], [1], [0, 1, 1, 1], [], []>, transpose_lhs_hint = false} : vector<32x32768xf32>, vector<32x32xf32>, vector<32768x32xf32> -> vector<32768x32xf32>
    %slice3A = vector.extract_strided_slice %dot_general3A_6 {offsets = [0, 0], sizes = [8192, 32], strides = [1, 1]} : vector<32768x32xf32> to vector<8192x32xf32>
    %slice3A_7 = vector.extract_strided_slice %dot_general3A_6 {offsets = [8192, 0], sizes = [8192, 32], strides = [1, 1]} : vector<32768x32xf32> to vector<8192x32xf32>
    %slice3A_8 = vector.extract_strided_slice %dot_general3A_6 {offsets = [16384, 0], sizes = [8192, 32], strides = [1, 1]} : vector<32768x32xf32> to vector<8192x32xf32>
    %slice3A_9 = vector.extract_strided_slice %dot_general3A_6 {offsets = [24576, 0], sizes = [8192, 32], strides = [1, 1]} : vector<32768x32xf32> to vector<8192x32xf32>
    %concatenate3A = tpu.concatenate %slice3A, %slice3A_7, %slice3A_8, %slice3A_9 in 1 : vector<8192x32xf32>, vector<8192x32xf32>, vector<8192x32xf32>, vector<8192x32xf32> -> vector<8192x128xf32>
    %swap3A = arith.constant 0 : index
    %swap3A_10 = arith.constant 0 : index
    %swap3A_11 = vector.load %arg2[%swap3A, %swap3A_10] : memref<8192x128xf32, #tpu.memory_space<vmem>>, vector<8192x128xf32>
    tpu.vector_store %arg2[%swap3A, %swap3A_10], %concatenate3A {strides = array<i32>} : memref<8192x128xf32, #tpu.memory_space<vmem>>, vector<8192x128xf32>,
    return
  }
  func.func @transform_0(%arg0: i32) -> (i32, i32) {
    %c0_i32 = arith.constant 0 : i32
    %c0_i32_0 = arith.constant 0 : i32
    return %c0_i32, %arg0 : i32, i32
  }
  func.func @transform_1(%arg0: i32) -> (i32, i32) {
    %c0_i32 = arith.constant 0 : i32
    %c0_i32_0 = arith.constant 0 : i32
    return %arg0, %c0_i32 : i32, i32
  }
}

module attributes {stable_mosaic.version = 14 : i64} {
  func.func @_tc_body(%arg0: i32, %arg1: memref<1x3x4096xf32, #tpu.memory_space<vmem>>, %arg2: memref<1x1x4096xi32, #tpu.memory_space<vmem>>, %arg3: memref<1024x128xf32, #tpu.memory_space<vmem>>, %arg4: memref<20x128xf32, #tpu.memory_space<vmem>>, %arg5: memref<1x128xf32, #tpu.memory_space<vmem>>, %arg6: memref<1x128xf32, #tpu.memory_space<vmem>>, %arg7: memref<1x4096x128xf32, #tpu.memory_space<vmem>>) attributes {dimension_semantics = [#tpu.dimension_semantics<arbitrary>], iteration_bounds = array<i64: 50>, scalar_prefetch = 0 : i64, scratch_operands = 0 : i64, tpu.core_type = #tpu.core_type<tc>, window_params = [{transform_indices = @transform_0, window_bounds = array<i64: 1, 3, 4096>}, {transform_indices = @transform_1, window_bounds = array<i64: 1, 1, 4096>}, {transform_indices = @transform_2, window_bounds = array<i64: 1024, 128>}, {pipeline_mode = #tpu.pipeline_mode<synchronous>, transform_indices = @transform_3, window_bounds = array<i64: 20, 128>}, {pipeline_mode = #tpu.pipeline_mode<synchronous>, transform_indices = @transform_4, window_bounds = array<i64: 1, 128>}, {pipeline_mode = #tpu.pipeline_mode<synchronous>, transform_indices = @transform_5, window_bounds = array<i64: 1, 128>}, {transform_indices = @transform_6, window_bounds = array<i64: 1, 4096, 128>}]} {
    %get3A = arith.constant 0 : index
    %get3A_0 = arith.constant 0 : index
    %get3A_1 = arith.constant 0 : index
    %get3A_2 = vector.load %arg1[%get3A, %get3A_0, %get3A_1] : memref<1x3x4096xf32, #tpu.memory_space<vmem>>, vector<1x3x4096xf32>
    %get3A_3 = vector.shape_cast %get3A_2 : vector<1x3x4096xf32> to vector<3x4096xf32>
    %get3A_4 = arith.constant 0 : index
    %get3A_5 = arith.constant 0 : index
    %get3A_6 = arith.constant 0 : index
    %get3A_7 = vector.load %arg2[%get3A_4, %get3A_5, %get3A_6] : memref<1x1x4096xi32, #tpu.memory_space<vmem>>, vector<1x1x4096xi32>
    %get3A_8 = vector.shape_cast %get3A_7 : vector<1x1x4096xi32> to vector<1x4096xi32>
    %iota3A = tpu.iota {dimensions = array<i32: 0>} : vector<16x4096xi32>
    %eq3A = vector.broadcast %get3A_8 : vector<1x4096xi32> to vector<16x4096xi32>
    %eq3A_9 = arith.cmpi eq, %eq3A, %iota3A : vector<16x4096xi32>
    %convert_element_type3A = arith.extui %eq3A_9 : vector<16x4096xi1> to vector<16x4096xi32>
    %convert_element_type3A_10 = arith.sitofp %convert_element_type3A : vector<16x4096xi32> to vector<16x4096xf32>
    %broadcast_in_dim3A = arith.constant 1.000000e+00 : f32
    %broadcast_in_dim3A_11 = vector.broadcast %broadcast_in_dim3A : f32 to vector<1x4096xf32>
    %concatenate3A = tpu.concatenate %get3A_3, %broadcast_in_dim3A_11, %convert_element_type3A_10 in 0 : vector<3x4096xf32>, vector<1x4096xf32>, vector<16x4096xf32> -> vector<20x4096xf32>
    %get3A_12 = arith.constant 0 : index
    %get3A_13 = arith.constant 0 : index
    %get3A_14 = vector.load %arg4[%get3A_12, %get3A_13] : memref<20x128xf32, #tpu.memory_space<vmem>>, vector<20x128xf32>
    %dot_general3A = arith.constant dense<0.000000e+00> : vector<4096x128xf32>
    %dot_general3A_15 = tpu.matmul %concatenate3A, %get3A_14, %dot_general3A {dimension_numbers = #tpu.dot_dimension_numbers<[0], [0], [1], [1], [0, 1, 1, 1], [], []>, transpose_lhs_hint = false} : vector<20x4096xf32>, vector<20x128xf32>, vector<4096x128xf32> -> vector<4096x128xf32>
    %get3A_16 = arith.constant 0 : index
    %get3A_17 = arith.constant 0 : index
    %get3A_18 = vector.load %arg3[%get3A_16, %get3A_17] : memref<1024x128xf32, #tpu.memory_space<vmem>>, vector<1024x128xf32>
    %slice3A = vector.extract_strided_slice %get3A_18 {offsets = [0, 0], sizes = [1024, 32], strides = [1, 1]} : vector<1024x128xf32> to vector<1024x32xf32>
    %slice3A_19 = vector.extract_strided_slice %get3A_18 {offsets = [0, 32], sizes = [1024, 32], strides = [1, 1]} : vector<1024x128xf32> to vector<1024x32xf32>
    %slice3A_20 = vector.extract_strided_slice %get3A_18 {offsets = [0, 64], sizes = [1024, 32], strides = [1, 1]} : vector<1024x128xf32> to vector<1024x32xf32>
    %slice3A_21 = vector.extract_strided_slice %get3A_18 {offsets = [0, 96], sizes = [1024, 32], strides = [1, 1]} : vector<1024x128xf32> to vector<1024x32xf32>
    %concatenate3A_22 = tpu.concatenate %slice3A, %slice3A_19, %slice3A_20, %slice3A_21 in 0 : vector<1024x32xf32>, vector<1024x32xf32>, vector<1024x32xf32>, vector<1024x32xf32> -> vector<4096x32xf32>
    %slice3A_23 = vector.extract_strided_slice %dot_general3A_15 {offsets = [0, 0], sizes = [4096, 96], strides = [1, 1]} : vector<4096x128xf32> to vector<4096x96xf32>
    %slice3A_24 = vector.extract_strided_slice %dot_general3A_15 {offsets = [0, 96], sizes = [4096, 32], strides = [1, 1]} : vector<4096x128xf32> to vector<4096x32xf32>
    %add3A = arith.addf %slice3A_24, %concatenate3A_22 : vector<4096x32xf32>
    %concatenate3A_25 = tpu.concatenate %slice3A_23, %add3A in 1 : vector<4096x96xf32>, vector<4096x32xf32> -> vector<4096x128xf32>
    %reduce_sum3A = arith.constant dense<0.000000e+00> : vector<4096xf32>
    %reduce_sum3A_26 = vector.multi_reduction <add>, %concatenate3A_25, %reduce_sum3A [1] : vector<4096x128xf32> to vector<4096xf32>
    %broadcast_in_dim3A_27 = vector.shape_cast %reduce_sum3A_26 : vector<4096xf32> to vector<4096x1xf32>
    %div3A = arith.constant 1.280000e+02 : f32
    %div3A_28 = vector.broadcast %div3A : f32 to vector<4096x1xf32>
    %div3A_29 = arith.divf %broadcast_in_dim3A_27, %div3A_28 : vector<4096x1xf32>
    %sub3A = vector.broadcast %div3A_29 : vector<4096x1xf32> to vector<4096x128xf32>
    %sub3A_30 = arith.subf %concatenate3A_25, %sub3A : vector<4096x128xf32>
    %mul3A = arith.mulf %sub3A_30, %sub3A_30 : vector<4096x128xf32>
    %reduce_sum3A_31 = arith.constant dense<0.000000e+00> : vector<4096xf32>
    %reduce_sum3A_32 = vector.multi_reduction <add>, %mul3A, %reduce_sum3A_31 [1] : vector<4096x128xf32> to vector<4096xf32>
    %broadcast_in_dim3A_33 = vector.shape_cast %reduce_sum3A_32 : vector<4096xf32> to vector<4096x1xf32>
    %div3A_34 = arith.constant 1.280000e+02 : f32
    %div3A_35 = vector.broadcast %div3A_34 : f32 to vector<4096x1xf32>
    %div3A_36 = arith.divf %broadcast_in_dim3A_33, %div3A_35 : vector<4096x1xf32>
    %add3A_37 = arith.constant 9.99999974E-6 : f32
    %add3A_38 = vector.broadcast %add3A_37 : f32 to vector<4096x1xf32>
    %add3A_39 = arith.addf %div3A_36, %add3A_38 : vector<4096x1xf32>
    %rsqrt3A = math.rsqrt %add3A_39 : vector<4096x1xf32>
    %mul3A_40 = vector.broadcast %rsqrt3A : vector<4096x1xf32> to vector<4096x128xf32>
    %mul3A_41 = arith.mulf %sub3A_30, %mul3A_40 : vector<4096x128xf32>
    %get3A_42 = arith.constant 0 : index
    %get3A_43 = arith.constant 0 : index
    %get3A_44 = vector.load %arg5[%get3A_42, %get3A_43] : memref<1x128xf32, #tpu.memory_space<vmem>>, vector<1x128xf32>
    %mul3A_45 = vector.broadcast %get3A_44 : vector<1x128xf32> to vector<4096x128xf32>
    %mul3A_46 = arith.mulf %mul3A_41, %mul3A_45 : vector<4096x128xf32>
    %get3A_47 = arith.constant 0 : index
    %get3A_48 = arith.constant 0 : index
    %get3A_49 = vector.load %arg6[%get3A_47, %get3A_48] : memref<1x128xf32, #tpu.memory_space<vmem>>, vector<1x128xf32>
    %add3A_50 = vector.broadcast %get3A_49 : vector<1x128xf32> to vector<4096x128xf32>
    %add3A_51 = arith.addf %mul3A_46, %add3A_50 : vector<4096x128xf32>
    %swap3A = arith.constant 0 : index
    %swap3A_52 = arith.constant 0 : index
    %swap3A_53 = arith.constant 0 : index
    %swap3A_54 = vector.load %arg7[%swap3A, %swap3A_52, %swap3A_53] : memref<1x4096x128xf32, #tpu.memory_space<vmem>>, vector<1x4096x128xf32>
    %swap3A_55 = vector.shape_cast %swap3A_54 : vector<1x4096x128xf32> to vector<4096x128xf32>
    %swap3A_56 = vector.shape_cast %add3A_51 : vector<4096x128xf32> to vector<1x4096x128xf32>
    tpu.vector_store %arg7[%swap3A, %swap3A_52, %swap3A_53], %swap3A_56 {strides = array<i32>} : memref<1x4096x128xf32, #tpu.memory_space<vmem>>, vector<1x4096x128xf32>,
    return
  }
  func.func @transform_0(%arg0: i32) -> (i32, i32, i32) {
    %c0_i32 = arith.constant 0 : i32
    %c0_i32_0 = arith.constant 0 : i32
    %c0_i32_1 = arith.constant 0 : i32
    return %arg0, %c0_i32, %c0_i32_0 : i32, i32, i32
  }
  func.func @transform_1(%arg0: i32) -> (i32, i32, i32) {
    %c0_i32 = arith.constant 0 : i32
    %c0_i32_0 = arith.constant 0 : i32
    %c0_i32_1 = arith.constant 0 : i32
    return %arg0, %c0_i32, %c0_i32_0 : i32, i32, i32
  }
  func.func @transform_2(%arg0: i32) -> (i32, i32) {
    %c0_i32 = arith.constant 0 : i32
    %c0_i32_0 = arith.constant 0 : i32
    return %arg0, %c0_i32 : i32, i32
  }
  func.func @transform_3(%arg0: i32) -> (i32, i32) {
    %c0_i32 = arith.constant 0 : i32
    %c0_i32_0 = arith.constant 0 : i32
    %c0_i32_1 = arith.constant 0 : i32
    return %c0_i32, %c0_i32_0 : i32, i32
  }
  func.func @transform_4(%arg0: i32) -> (i32, i32) {
    %c0_i32 = arith.constant 0 : i32
    %c0_i32_0 = arith.constant 0 : i32
    %c0_i32_1 = arith.constant 0 : i32
    return %c0_i32, %c0_i32_0 : i32, i32
  }
  func.func @transform_5(%arg0: i32) -> (i32, i32) {
    %c0_i32 = arith.constant 0 : i32
    %c0_i32_0 = arith.constant 0 : i32
    %c0_i32_1 = arith.constant 0 : i32
    return %c0_i32, %c0_i32_0 : i32, i32
  }
  func.func @transform_6(%arg0: i32) -> (i32, i32, i32) {
    %c0_i32 = arith.constant 0 : i32
    %c0_i32_0 = arith.constant 0 : i32
    %c0_i32_1 = arith.constant 0 : i32
    return %arg0, %c0_i32, %c0_i32_0 : i32, i32, i32
  }
}

</mosaic_0001>

<sc_bundles>
// kernel: kernel.5.cloned.1.call-start
scs
__scs_entry_jumppad:
0x0: {  	(pc) =	sbr.rel $0x88, $3  }
0x1: {  	(tag) =	ssettag $0x0;
	lr =	simm.s32 $0x1  }
0x2: {  	[smem:$0x3F92] =	sst lr;
	_ =	strace $0xD0000000  }
0x3: {  	_ = 	snop  }
0x4: {  	_ = 	snop  }
0x5: {  	_ = 	snop  }
0x6: {  	_ = 	snop  }
0x7: {  	_ = 	snop  }
__scs_overlays_trampoline_lowered:
0x8: {  	[smem:$0x3FA1] =	sst s0  }
0x9: {  	[smem:$0x3FA2] =	sst s1  }
0xa: {  	[smem:$0x3FA3] =	sst s2  }
0xb: {  	[smem:$0x3FA4] =	sst s3  }
0xc: {  	[smem:$0x3FA5] =	sst s4  }
0xd: {  	[smem:$0x3FA6] =	sst s5  }
0xe: {  	[smem:$0x3FA7] =	sst s6  }
0xf: {  	[smem:$0x3FA8] =	sst s7  }
0x10: {  	[smem:$0x3FA9] =	sst s8  }
0x11: {  	[smem:$0x3FAA] =	sst s9;
	s0 =	simm.s32 @!p0 $0x0  }
0x12: {  	s1 =	sld [smem:$0x3F90];
	s0 =	simm.s32 @p0 $0x1  }
0x13: {  	[smem:$0x3FAB] =	sst s0;
	s0 =	simm.s32 @!p1 $0x0  }
0x14: {  	s2 =	sld [smem:$0x3F8F];
	s0 =	simm.s32 @p1 $0x1  }
0x15: {  	[smem:$0x3FAC] =	sst s0;
	s0 =	simm.s32 @!p2 $0x0  }
0x16: {  	s3 =	sld [smem:$0x3FDB];
	s0 =	simm.s32 @p2 $0x1  }
0x17: {  	s4 =	simm.s32 $0x1BF5;
	[smem:$0x3FAE] =	sst s0  }
0x18: {  	s0 =	sld [smem:$0x3F91];
	_ =	swait.ge [sflag:s4], $0x0  }
0x19: {  	s7 =	sld [smem:$0x3F92]  }
0x1a: {  	s8 =	sadd.s32 $0xFFFFE003, lr  }
0x1b: {  	s9 =	sadd.s32 $0xFFFFFEF7, lr;
	s5 =	simm.s32 $0xFFFFFFFF;
	p2 =	slt.u32 s8, $0xFFFFF086  }
0x1c: {  	p1 =	slt.u32 s9, $0xF7A;
	s5 =	simm.s32 @!p2 $0x0  }
0x1d: {  	s5 =	simm.s32 @p1 $0x1;
	p0 =	seq.s32 s7, s2  }
0x1e: {  	s7 =	smul.u32 @!p0 $0xF7A, s2;
	p2 =	seq.s32 @!p0 s5, $0x0  }
0x1f: {  	s9 =	smul.u32 $0xF7A, s1;
	s8 =	simm.s32 @!p0 $0x1BF5;
	p2 =	por !p2, p0  }
0x20: {  	[sflag:s8] =	ssyncset.s32 @!p0 $0xFFFFF086;
	s6 =	sadd.s32 @!p0 s3, s7;
	s7 =	simm.s32 @!p0 $0x108  }
0x21: {  	s3 =	sadd.s32 s3, s9;
	s6 =	sadd.s32 @!p0 $0x88, s6;
	s7 =	simm.s32 @p2 $0x1082  }
0x22: {  	[simem:s7], [sflag:s8] =	dma.local @!p0 [hbm:s6], $0xF7A  }
0x23: {  	s9 =	sor.u32 $0xD0000000, s2;
	s6 =	simm.s32 $0x108;
	_ =	swait.ge @!p0 [sflag:s8], $0x0  }
0x24: {  	s3 =	sadd.s32 $0x88, s3;
	s6 =	simm.s32 @!p1 $0x1082;
	[sflag:s4] =	ssyncset.s32 $0xFFFFF086  }
0x25: {  	[simem:s6], [sflag:s4] =	dma.local [hbm:s3], $0xF7A  }
0x26: {  	[smem:$0x3F92] =	sst s1;
	(tag) =	ssettag s2;
	_ =	strace s9  }
0x27: {  	s1 =	sld [smem:$0x3FA2]  }
0x28: {  	s2 =	sld [smem:$0x3FA3]  }
0x29: {  	s4 =	sld [smem:$0x3FA5]  }
0x2a: {  	p0 =	seq.s32 s5, $0x0;
	s5 =	sld [smem:$0x3FA6]  }
0x2b: {  	s6 =	sld [smem:$0x3FA7]  }
0x2c: {  	s7 =	sld [smem:$0x3FA8]  }
0x2d: {  	s3 =	simm.s32 $0x108;
	s8 =	sld [smem:$0x3FA9]  }
0x2e: {  	s3 =	simm.s32 @!p0 $0x1082;
	s9 =	sld [smem:$0x3FAA]  }
0x2f: {  	lr =	sadd.s32 s0, s3;
	s0 =	sld [smem:$0x3FA1]  }
0x30: {  	s3 =	sld [smem:$0x3FA4]  }
0x31: {  	[smem:$0x3FAD] =	sst s10  }
0x32: {  	s10 =	sld [smem:$0x3FAB];
	_ =	sdelay $0x3  }
0x33: {  	p0 =	seq.s32 s10, $0x1;
	s10 =	sld [smem:$0x3FAD];
	_ =	sdelay $0x3  }
0x34: {  	[smem:$0x3FAD] =	sst s10  }
0x35: {  	s10 =	sld [smem:$0x3FAC];
	_ =	sdelay $0x3  }
0x36: {  	p1 =	seq.s32 s10, $0x1;
	s10 =	sld [smem:$0x3FAD];
	_ =	sdelay $0x3  }
0x37: {  	[smem:$0x3FAD] =	sst s10  }
0x38: {  	s10 =	sld [smem:$0x3FAE]  }
0x39: {  	_ = 	snop;
	(pc) =	sbr.ind lr, $3  }
0x3a: {  	_ = 	snop  }
0x3b: {  	_ = 	snop  }
0x3c: {  	p2 =	seq.s32 s10, $0x1;
	s10 =	sld [smem:$0x3FAD]  }
0x3d: {  	_ =	shalt  }
0x3e: {  	_ =	shalt  }
0x3f: {  	_ =	shalt  }
0x40: {  	_ =	shalt  }
0x41: {  	_ =	shalt  }
0x42: {  	_ =	shalt  }
0x43: {  	_ =	shalt  }
0x44: {  	_ =	shalt  }
0x45: {  	_ =	shalt  }
0x46: {  	_ =	shalt  }
0x47: {  	_ =	shalt  }
0x48: {  	_ =	shalt  }
0x49: {  	_ =	shalt  }
0x4a: {  	_ =	shalt  }
0x4b: {  	_ =	shalt  }
0x4c: {  	_ =	shalt  }
0x4d: {  	_ =	shalt  }
0x4e: {  	_ =	shalt  }
0x4f: {  	_ =	shalt  }
0x50: {  	_ =	shalt  }
0x51: {  	_ =	shalt  }
0x52: {  	_ =	shalt  }
0x53: {  	_ =	shalt  }
0x54: {  	_ =	shalt  }
0x55: {  	_ =	shalt  }
0x56: {  	_ =	shalt  }
0x57: {  	_ =	shalt  }
0x58: {  	_ =	shalt  }
0x59: {  	_ =	shalt  }
0x5a: {  	_ =	shalt  }
0x5b: {  	_ =	shalt  }
0x5c: {  	_ =	shalt  }
0x5d: {  	_ =	shalt  }
0x5e: {  	_ =	shalt  }
0x5f: {  	_ =	shalt  }
0x60: {  	_ =	shalt  }
0x61: {  	_ =	shalt  }
0x62: {  	_ =	shalt  }
0x63: {  	_ =	shalt  }
0x64: {  	_ =	shalt  }
0x65: {  	_ =	shalt  }
0x66: {  	_ =	shalt  }
0x67: {  	_ =	shalt  }
0x68: {  	_ =	shalt  }
0x69: {  	_ =	shalt  }
0x6a: {  	_ =	shalt  }
0x6b: {  	_ =	shalt  }
0x6c: {  	_ =	shalt  }
0x6d: {  	_ =	shalt  }
0x6e: {  	_ =	shalt  }
0x6f: {  	_ =	shalt  }
0x70: {  	_ =	shalt  }
0x71: {  	_ =	shalt  }
0x72: {  	_ =	shalt  }
0x73: {  	_ =	shalt  }
0x74: {  	_ =	shalt  }
0x75: {  	_ =	shalt  }
0x76: {  	_ =	shalt  }
0x77: {  	_ =	shalt  }
0x78: {  	_ =	shalt  }
0x79: {  	_ =	shalt  }
0x7a: {  	_ =	shalt  }
0x7b: {  	_ =	shalt  }
0x7c: {  	_ =	shalt  }
0x7d: {  	_ =	shalt  }
0x7e: {  	_ =	shalt  }
0x7f: {  	_ =	shalt  }
0x80: {  	_ =	shalt  }
0x81: {  	_ =	shalt  }
0x82: {  	_ =	shalt  }
0x83: {  	_ =	shalt  }
0x84: {  	_ =	shalt  }
0x85: {  	_ =	shalt  }
0x86: {  	_ =	shalt  }
0x87: {  	_ =	shalt  }
.Lfunc_end0:
.L_simem_size_0:
called_computation_lowered:
.L_overlay_start_0:
0x88: {  	s2 =	sld [smem:$0x3FD9]  }
0x89: {  	s3 =	sld [smem:$0x3FFE];
	_ =	sdelay $0x1  }
0x8a: {  	s1 =	srdreg.scid  }
0x8b: {  	s0 =	sand.u32 $0x1, s1  }
0x8c: {  	s17 =	sshll.u32 s0, $0xA;
	s2 =	sadd.s32 s3, s2  }
0x8d: {  	s2 =	sadd.s32 s2, s17  }
0x8e: {  	[smem:$0x3FB9] =	sst s2  }
0x8f: {  	_ = 	snop  }
0x90: {  	s2 =	sld [smem:$0x3FD0];
	(tm) =	ssettm $0x1  }
0x91: {  	s18 =	sld [smem:$0x3FFB];
	_ =	sdelay $0x3  }
0x92: {  	_ =	strace s18  }
0x93: {  	s3 =	sld [smem:$0x3FFC];
	_ =	sdelay $0x3  }
0x94: {  	_ =	strace s3  }
0x95: {  	s3 =	sld [smem:$0x3FFD];
	_ =	sdelay $0x3  }
0x96: {  	_ =	strace s3  }
0x97: {  	_ =	strace $0x8FFFFFFF  }
0x98: {  	s19 =	sld [smem:$0x3FDB];
	_ =	sdelay $0x1  }
0x99: {  	s4 =	simm.s32 $_scs_section_size  }
0x9a: {  	s5 =	simm.s32 $_size__tile_overlayer_lowered;
	s6 =	simm.s32 $_tile_overlayer_lowered  }
0x9b: {  	s22 =	simm.s32 $0x1BFF;
	s21 =	sshll.u32 s6, $0x1;
	s3 =	sadd.s32 s4, s19  }
0x9c: {  	s7 =	simm.s32 $0x0;
	s20 =	sshll.u32 s5, $0x1;
	s5 =	sadd.s32 s21, s3  }
0x9d: {  	[timem:s7], [sflag:s22] =	dma.local [hbm:s5], s20  }
0x9e: {  	_ =	swait.ge [sflag:s22], s20  }
0x9f: {  	s4 =	ssub.s32 $0x0, s20;
	[sflag:s22] =	ssyncset.done $0x0  }
0xa0: {  	[sflag:s22] =	ssyncadd.s32 s4;
	_ =	sdelay $0x1  }
0xa1: {  	s23 =	simm.s32 $0x1B8B  }
0xa2: {  	_ =	swait.ge [sflag:s23], $0x1  }
0xa3: {  	[sflag:s23] =	ssyncset.done $0x0  }
0xa4: {  	s25 =	simm.s32 $0x1B8E;
	s24 =	sld [smem:$0x3FFE];
	[sflag:s23] =	ssyncadd.s32 $0xFFFFFFFF  }
0xa5: {  	s26 =	simm.s32 $execute0_lowered;
	[smem:$0x3FD2] =	sst s25  }
0xa6: {  	s5 =	sshll.u32 s26, $0x1;
	_ =	strace $0x80000046;
	[dreg:$0x1] =	wrdreg $0xFFFFFFFF  }
0xa7: {  	s28 =	simm.s32 $_size_execute0_lowered;
	s3 =	sadd.s32 s3, s5;
	[dreg:$0x0] =	wrdreg $0x0  }
0xa8: {  	s5 =	sshll.u32 s28, $0x1;
	[dreg:$0x2] =	wrdreg s3  }
0xa9: {  	[dreg:$0x3] =	wrdreg s5  }
0xaa: {  	[dreg:$0x4] =	wrdreg $0xC0  }
0xab: {  	_ =	task [dreg:s7], $0x5FFFF  }
0xac: {  	[dreg:$0x1] =	wrdreg $0xFFFFFFFF  }
0xad: {  	[dreg:$0x0] =	wrdreg $0x60  }
0xae: {  	[dreg:$0x2] =	wrdreg s24  }
0xaf: {  	[dreg:$0x3] =	wrdreg s2  }
0xb0: {  	[dreg:$0x4] =	wrdreg $0x9  }
0xb1: {  	_ =	task.clear_ibuf [dreg:s7], $0x5FFFF;
	_ =	strace $0x90000046  }
0xb2: {  	s29 =	simm.s32 $0x9;
	_ =	strace $0x80000048  }
0xb3: {  	_ =	swait.ge [sflag:s29], $0x1  }
0xb4: {  	[sflag:s29] =	ssyncadd.s32 $0xFFFFFFFF  }
0xb5: {  	_ =	strace $0x90000048  }
0xb6: {  	_ =	sfence  }
0xb7: {  	s30 =	sld [smem:$0x0];
	_ =	sdelay $0x2  }
0xb8: {  	s31 =	sshll.u32 s1, $0xD;
	s1 =	sshrl.u32 s1, $0x2  }
0xb9: {  	s3 =	sand.u32 $0x4000, s31;
	s1 =	sadd.s32 s1, s30  }
0xba: {  	s0 =	sor.u32 s3, s0;
	s1 =	sshll.u32 s1, $0x11  }
0xbb: {  	s0 =	sor.u32 s1, s0  }
0xbc: {  	s0 =	sadd.s32 $0x8F2B, s0  }
0xbd: {  	[sflag:s0] =	ssyncadd.remote.s32 $0x1  }
0xbe: {  	_ =	sfence.sel $0xFFFF  }
0xbf: {  	[dreg:$0x0] =	wrdreg $0xFFFFFFFF;
	(pc) =	sbr.abs _section_cstart, $3  }
0xc0: {  	[dreg:$0x1] =	wrdreg $0xFFFFFFFF  }
0xc1: {  	_ =	task.clear_ibuf [dreg:s7], $0x2FFFF;
	_ =	strace $0x9FFFFFFF  }
0xc2: {  	(tm) =	ssettm $0x7FFFFFFF  }
0xc3: {  	_ =	shalt  }
tec
execute0_lowered:
.L_overlay_start_1:
0x0: {  	(tag) =	ssettag $0x1  }
0x1: {  	s1 =	srdreg.scid;
	s0 =	stileid.u32  }
0x2: {  	s16 =	sand.u32 $0x1, s1;
	s26 =	sshll.u32 s0, $0x1  }
0x3: {  	s8 =	rddreg [dreg:$0x0];
	s9 =	sor.u32 s16, s26  }
0x4: {  	s15 =	rddreg [dreg:$0x1];
	s17 =	smul.u32 $0x1900, s9  }
0x5: {  	s2 =	simm.s32 $0x0;
	s1 =	rddreg [dreg:$0x2]  }
0x6: {  	[smem:$0x7FF] =	sst s2;
	s3 =	sshrl.u32 s17, $0x3  }
0x7: {  	_ =	strace $0x80000047;
	s4 =	sadd.s32 s15, s3;
	s3 =	simm.s32 $0x2  }
0x8: {  	[tilespmem:s2], [sflag:$0x2] =	stream.linear.gather [hbm4b:s4+s2], $0x500, $0x38;
	[tilespmem:$0xA500] =	vst v63  }
0x9: {  	_ =	swait.ge [sflag:s3], $0x500  }
0xa: {  	s6 =	simm.s32 $0x500;
	[sflag:s3] =	ssyncset.done $0x0  }
0xb: {  	s7 =	simm.s32 $0x1;
	s5 =	sadd.s32 $0x2000, s8;
	[sflag:s3] =	ssyncadd.s32 $0xFFFFFB00  }
0xc: {  	[tilespmem:s6], [sflag:$0x1] =	stream.indirect.gather [hbm4b:s5+s6], $0x20, s2, s6, $0xb8;
	[tilespmem:$0xA500] =	vst v63  }
0xd: {  	s9 =	smul.u32 $0x6400, s9;
	_ =	swait.ge [sflag:s7], $0xA000  }
0xe: {  	s18 =	sadd.s32 $0x3E2000, s8;
	[sflag:s7] =	ssyncset.done $0x0  }
0xf: {  	s8 =	sadd.s32 s18, s9;
	[sflag:s7] =	ssyncadd.s32 $0xFFFF6000  }
0x10: {  	[hbm4b:s8+s2] =	stream.linear.scatter [tilespmem:s6], [sflag:$0x2], $0xA000, $0x38;
	[tilespmem:$0xA500] =	vst v63  }
0x11: {  	s10 =	sadd.s32 $0x500, s17;
	_ =	swait.ge [sflag:s3], $0xA000  }
0x12: {  	s28 =	sshrl.u32 s10, $0x3;
	[sflag:s3] =	ssyncset.done $0x0  }
0x13: {  	s9 =	sadd.s32 s15, s28;
	[sflag:s3] =	ssyncadd.s32 $0xFFFF6000  }
0x14: {  	[tilespmem:s2], [sflag:$0x2] =	stream.linear.gather [hbm4b:s9+s2], $0x500, $0x38;
	[tilespmem:$0xA500] =	vst v63  }
0x15: {  	_ =	swait.ge [sflag:s3], $0x500  }
0x16: {  	[sflag:s3] =	ssyncset.done $0x0  }
0x17: {  	[sflag:s3] =	ssyncadd.s32 $0xFFFFFB00  }
0x18: {  	[tilespmem:s6], [sflag:$0x1] =	stream.indirect.gather [hbm4b:s5+s6], $0x20, s2, s6, $0xb8;
	[tilespmem:$0xA500] =	vst v63  }
0x19: {  	_ =	swait.ge [sflag:s7], $0xA000  }
0x1a: {  	s10 =	sshll.u32 s10, $0x2;
	[sflag:s7] =	ssyncset.done $0x0  }
0x1b: {  	s10 =	sadd.s32 s18, s10;
	[sflag:s7] =	ssyncadd.s32 $0xFFFF6000  }
0x1c: {  	[hbm4b:s10+s2] =	stream.linear.scatter [tilespmem:s6], [sflag:$0x2], $0xA000, $0x38;
	[tilespmem:$0xA500] =	vst v63  }
0x1d: {  	s12 =	sadd.s32 $0xA00, s17;
	_ =	swait.ge [sflag:s3], $0xA000  }
0x1e: {  	s11 =	sshrl.u32 s12, $0x3;
	[sflag:s3] =	ssyncset.done $0x0  }
0x1f: {  	s11 =	sadd.s32 s15, s11;
	[sflag:s3] =	ssyncadd.s32 $0xFFFF6000  }
0x20: {  	[tilespmem:s2], [sflag:$0x2] =	stream.linear.gather [hbm4b:s11+s2], $0x500, $0x38;
	[tilespmem:$0xA500] =	vst v63  }
0x21: {  	_ =	swait.ge [sflag:s3], $0x500  }
0x22: {  	[sflag:s3] =	ssyncset.done $0x0  }
0x23: {  	[sflag:s3] =	ssyncadd.s32 $0xFFFFFB00  }
0x24: {  	[tilespmem:s6], [sflag:$0x1] =	stream.indirect.gather [hbm4b:s5+s6], $0x20, s2, s6, $0xb8;
	[tilespmem:$0xA500] =	vst v63  }
0x25: {  	_ =	swait.ge [sflag:s7], $0xA000  }
0x26: {  	s12 =	sshll.u32 s12, $0x2;
	[sflag:s7] =	ssyncset.done $0x0  }
0x27: {  	s12 =	sadd.s32 s18, s12;
	[sflag:s7] =	ssyncadd.s32 $0xFFFF6000  }
0x28: {  	[hbm4b:s12+s2] =	stream.linear.scatter [tilespmem:s6], [sflag:$0x2], $0xA000, $0x38;
	[tilespmem:$0xA500] =	vst v63  }
0x29: {  	s14 =	sadd.s32 $0xF00, s17;
	_ =	swait.ge [sflag:s3], $0xA000  }
0x2a: {  	s13 =	sshrl.u32 s14, $0x3;
	[sflag:s3] =	ssyncset.done $0x0  }
0x2b: {  	s13 =	sadd.s32 s15, s13;
	[sflag:s3] =	ssyncadd.s32 $0xFFFF6000  }
0x2c: {  	[tilespmem:s2], [sflag:$0x2] =	stream.linear.gather [hbm4b:s13+s2], $0x500, $0x38;
	[tilespmem:$0xA500] =	vst v63  }
0x2d: {  	_ =	swait.ge [sflag:s3], $0x500  }
0x2e: {  	[sflag:s3] =	ssyncset.done $0x0  }
0x2f: {  	[sflag:s3] =	ssyncadd.s32 $0xFFFFFB00  }
0x30: {  	[tilespmem:s6], [sflag:$0x1] =	stream.indirect.gather [hbm4b:s5+s6], $0x20, s2, s6, $0xb8;
	[tilespmem:$0xA500] =	vst v63  }
0x31: {  	_ =	swait.ge [sflag:s7], $0xA000  }
0x32: {  	s14 =	sshll.u32 s14, $0x2;
	[sflag:s7] =	ssyncset.done $0x0  }
0x33: {  	s14 =	sadd.s32 s18, s14;
	[sflag:s7] =	ssyncadd.s32 $0xFFFF6000  }
0x34: {  	[hbm4b:s14+s2] =	stream.linear.scatter [tilespmem:s6], [sflag:$0x2], $0xA000, $0x38;
	[tilespmem:$0xA500] =	vst v63  }
0x35: {  	s17 =	sadd.s32 $0x1400, s17;
	_ =	swait.ge [sflag:s3], $0xA000  }
0x36: {  	s19 =	sshrl.u32 s17, $0x3;
	[sflag:s3] =	ssyncset.done $0x0  }
0x37: {  	s16 =	ssub.s32 $0x2, s16;
	s15 =	sadd.s32 s15, s19;
	[sflag:s3] =	ssyncadd.s32 $0xFFFF6000  }
0x38: {  	[tilespmem:s2], [sflag:$0x2] =	stream.linear.gather [hbm4b:s15+s2], $0x500, $0x38;
	[tilespmem:$0xA500] =	vst v63  }
0x39: {  	s29 =	sshrl.u32 s16, $0x1;
	_ =	swait.ge [sflag:s3], $0x500  }
0x3a: {  	s19 =	ssub.s32 s16, s29;
	[sflag:s3] =	ssyncset.done $0x0  }
0x3b: {  	s31 =	smax.u32 s19, $0x1;
	[sflag:s3] =	ssyncadd.s32 $0xFFFFFB00  }
0x3c: {  	[tilespmem:s6], [sflag:$0x1] =	stream.indirect.gather [hbm4b:s5+s6], $0x20, s2, s6, $0xb8;
	[tilespmem:$0xA500] =	vst v63  }
0x3d: {  	p0 =	sne.s32 s31, $0x1;
	_ =	swait.ge [sflag:s7], $0xA000  }
.Ltmp0:
0x3e: {  	s30 =	sshll.u32 s17, $0x2;
	[sflag:s7] =	ssyncset.done $0x0;
	(pc) =	sbr.rel @!p0 .LBB2_2-.Ltmp0, $4  }
0x3f: {  	s16 =	sadd.s32 s18, s30;
	[sflag:s7] =	ssyncadd.s32 $0xFFFF6000  }
0x40: {  	[hbm4b:s16+s2] =	stream.linear.scatter [tilespmem:s6], [sflag:$0x2], $0xA000, $0x38;
	[tilespmem:$0xA500] =	vst v63  }
0x41: {  	_ =	swait.ge [sflag:s3], $0xA000  }
0x42: {  	s17 =	sadd.s32 $0xFFFFFFFF, s31;
	[sflag:s3] =	ssyncset.done $0x0  }
.LBB2_1:
0x43: {  	p0 =	sne.s32 s17, $0x1;
	s17 =	sadd.s32 $0xFFFFFFFF, s17;
	[sflag:s3] =	ssyncadd.s32 $0xFFFF6000  }
0x44: {  	[tilespmem:s2], [sflag:$0x2] =	stream.linear.gather [hbm4b:s4+s2], $0x500, $0x38;
	[tilespmem:$0xA500] =	vst v63  }
0x45: {  	_ =	swait.ge [sflag:s3], $0x500  }
0x46: {  	[sflag:s3] =	ssyncset.done $0x0  }
0x47: {  	[sflag:s3] =	ssyncadd.s32 $0xFFFFFB00  }
0x48: {  	[tilespmem:s6], [sflag:$0x1] =	stream.indirect.gather [hbm4b:s5+s6], $0x20, s2, s6, $0xb8;
	[tilespmem:$0xA500] =	vst v63  }
0x49: {  	_ =	swait.ge [sflag:s7], $0xA000  }
0x4a: {  	[sflag:s7] =	ssyncset.done $0x0  }
0x4b: {  	[sflag:s7] =	ssyncadd.s32 $0xFFFF6000  }
0x4c: {  	[hbm4b:s8+s2] =	stream.linear.scatter [tilespmem:s6], [sflag:$0x2], $0xA000, $0x38;
	[tilespmem:$0xA500] =	vst v63  }
0x4d: {  	_ =	swait.ge [sflag:s3], $0xA000  }
0x4e: {  	[sflag:s3] =	ssyncset.done $0x0  }
0x4f: {  	[sflag:s3] =	ssyncadd.s32 $0xFFFF6000  }
0x50: {  	[tilespmem:s2], [sflag:$0x2] =	stream.linear.gather [hbm4b:s9+s2], $0x500, $0x38;
	[tilespmem:$0xA500] =	vst v63  }
0x51: {  	_ =	swait.ge [sflag:s3], $0x500  }
0x52: {  	[sflag:s3] =	ssyncset.done $0x0  }
0x53: {  	[sflag:s3] =	ssyncadd.s32 $0xFFFFFB00  }
0x54: {  	[tilespmem:s6], [sflag:$0x1] =	stream.indirect.gather [hbm4b:s5+s6], $0x20, s2, s6, $0xb8;
	[tilespmem:$0xA500] =	vst v63  }
0x55: {  	_ =	swait.ge [sflag:s7], $0xA000  }
0x56: {  	[sflag:s7] =	ssyncset.done $0x0  }
0x57: {  	[sflag:s7] =	ssyncadd.s32 $0xFFFF6000  }
0x58: {  	[hbm4b:s10+s2] =	stream.linear.scatter [tilespmem:s6], [sflag:$0x2], $0xA000, $0x38;
	[tilespmem:$0xA500] =	vst v63  }
0x59: {  	_ =	swait.ge [sflag:s3], $0xA000  }
0x5a: {  	[sflag:s3] =	ssyncset.done $0x0  }
0x5b: {  	[sflag:s3] =	ssyncadd.s32 $0xFFFF6000  }
0x5c: {  	[tilespmem:s2], [sflag:$0x2] =	stream.linear.gather [hbm4b:s11+s2], $0x500, $0x38;
	[tilespmem:$0xA500] =	vst v63  }
0x5d: {  	_ =	swait.ge [sflag:s3], $0x500  }
0x5e: {  	[sflag:s3] =	ssyncset.done $0x0  }
0x5f: {  	[sflag:s3] =	ssyncadd.s32 $0xFFFFFB00  }
0x60: {  	[tilespmem:s6], [sflag:$0x1] =	stream.indirect.gather [hbm4b:s5+s6], $0x20, s2, s6, $0xb8;
	[tilespmem:$0xA500] =	vst v63  }
0x61: {  	_ =	swait.ge [sflag:s7], $0xA000  }
0x62: {  	[sflag:s7] =	ssyncset.done $0x0  }
0x63: {  	[sflag:s7] =	ssyncadd.s32 $0xFFFF6000  }
0x64: {  	[hbm4b:s12+s2] =	stream.linear.scatter [tilespmem:s6], [sflag:$0x2], $0xA000, $0x38;
	[tilespmem:$0xA500] =	vst v63  }
0x65: {  	_ =	swait.ge [sflag:s3], $0xA000  }
0x66: {  	[sflag:s3] =	ssyncset.done $0x0  }
0x67: {  	[sflag:s3] =	ssyncadd.s32 $0xFFFF6000  }
0x68: {  	[tilespmem:s2], [sflag:$0x2] =	stream.linear.gather [hbm4b:s13+s2], $0x500, $0x38;
	[tilespmem:$0xA500] =	vst v63  }
0x69: {  	_ =	swait.ge [sflag:s3], $0x500  }
0x6a: {  	[sflag:s3] =	ssyncset.done $0x0  }
0x6b: {  	[sflag:s3] =	ssyncadd.s32 $0xFFFFFB00  }
0x6c: {  	[tilespmem:s6], [sflag:$0x1] =	stream.indirect.gather [hbm4b:s5+s6], $0x20, s2, s6, $0xb8;
	[tilespmem:$0xA500] =	vst v63  }
0x6d: {  	_ =	swait.ge [sflag:s7], $0xA000  }
0x6e: {  	[sflag:s7] =	ssyncset.done $0x0  }
0x6f: {  	[sflag:s7] =	ssyncadd.s32 $0xFFFF6000  }
0x70: {  	[hbm4b:s14+s2] =	stream.linear.scatter [tilespmem:s6], [sflag:$0x2], $0xA000, $0x38;
	[tilespmem:$0xA500] =	vst v63  }
0x71: {  	_ =	swait.ge [sflag:s3], $0xA000  }
0x72: {  	[sflag:s3] =	ssyncset.done $0x0  }
0x73: {  	[sflag:s3] =	ssyncadd.s32 $0xFFFF6000  }
0x74: {  	[tilespmem:s2], [sflag:$0x2] =	stream.linear.gather [hbm4b:s15+s2], $0x500, $0x38;
	[tilespmem:$0xA500] =	vst v63  }
0x75: {  	_ =	swait.ge [sflag:s3], $0x500  }
0x76: {  	[sflag:s3] =	ssyncset.done $0x0  }
0x77: {  	[sflag:s3] =	ssyncadd.s32 $0xFFFFFB00  }
0x78: {  	[tilespmem:s6], [sflag:$0x1] =	stream.indirect.gather [hbm4b:s5+s6], $0x20, s2, s6, $0xb8;
	[tilespmem:$0xA500] =	vst v63  }
0x79: {  	_ =	swait.ge [sflag:s7], $0xA000  }
.Ltmp1:
0x7a: {  	[sflag:s7] =	ssyncset.done $0x0;
	(pc) =	sbr.rel @p0 .LBB2_1-.Ltmp1, $4  }
0x7b: {  	[sflag:s7] =	ssyncadd.s32 $0xFFFF6000  }
0x7c: {  	[hbm4b:s16+s2] =	stream.linear.scatter [tilespmem:s6], [sflag:$0x2], $0xA000, $0x38;
	[tilespmem:$0xA500] =	vst v63  }
0x7d: {  	_ =	swait.ge [sflag:s3], $0xA000  }
0x7e: {  	[sflag:s3] =	ssyncset.done $0x0  }
.LBB2_2:
0x7f: {  	[sflag:s3] =	ssyncadd.s32 $0xFFFF6000  }
0x80: {  	_ =	sfence.sel $0x180000  }
0x81: {  	[bflag:$0x0] =	sbarrier.arrive $0xFFFF  }
0x82: {  	p0 =	sne.s32 s0, $0x0;
	_ =	strace $0x90000047  }
0x83: {  	s0 =	sadd.s32 @!p0 $0x100000, s1;
	[bflag:$0x2] =	sbarrier.arrive $0xFFFF  }
0x84: {  	[sflag:s0] =	ssyncadd.tile.s32 @!p0 $0x1;
	_ =	shalt  }
.Lfunc_end2:
_tile_overlayer_lowered:
.L_overlay_start_2:
0x85: {  	(tag) =	ssettag $0x2  }
0x86: {  	s0 =	rddreg [dreg:$0x0];
	s2 =	stileid.u32  }
0x87: {  	s1 =	rddreg [dreg:$0x1];
	p0 =	sne.s32 s2, $0x0  }
0x88: {  	s3 =	rddreg [dreg:$0x2];
	[bflag:$0x3] =	sbarrier.arrive $0xFFFF;
	s2 =	simm.s32 @!p0 $0x1C02  }
0x89: {  	[timem:s3], [sflag:s2] =	dma.local @!p0 [hbm:s0], s1  }
0x8a: {  	s0 =	simm.s32 @!p0 $0x2  }
0x8b: {  	_ =	swait.ge @!p0 [sflag:s0], s1  }
0x8c: {  	s1 =	ssub.s32 @!p0 $0x0, s1;
	[sflag:s0] =	ssyncset.done @!p0 $0x0  }
0x8d: {  	[sflag:s0] =	ssyncadd.s32 @!p0 s1  }
0x8e: {  	[bflag:$0x3] =	sbarrier.arrive $0xFFFF  }
0x8f: {  	_ =	shalt  }

</sc_bundles>
